<compile_context>
chip_gen: v7x
topology: tpu7x:2x2x1
jax: 0.10.2.dev20260603
libtpu: 0.0.44.dev20260713+nightly
codegen_flags: <defaults>
</compile_context>

<pallas_src>
import functools

import jax
import jax.numpy as jnp
from jax import lax
from jax.experimental import pallas as pl
from jax.experimental.pallas import tpu as pltpu
from jax.experimental.pallas import tpu_sc as plsc

N_NODES = 10000
E_EDGES = 320000
E_COLS = E_EDGES // 128
NUM_CORES = 2
NUM_SUBCORES = 16
NUM_WORKERS = NUM_CORES * NUM_SUBCORES
E_PER_WORKER = E_EDGES // NUM_WORKERS
WINDOW_COLS = E_COLS // NUM_WORKERS + 1
WINDOW = WINDOW_COLS * 128
LANES = 16
WEIGHT_CONST = 0.01


def _sc_body(phi_hbm, pos_hbm, ei_hbm, out_hbm,
             phi_v, pos_v, src_v, dst_v, lap_v, deg_v,
             phi_sh, pos_sh, sem):
    cid = lax.axis_index("c")
    sid = lax.axis_index("s")
    wid = sid * NUM_CORES + cid
    base = wid * E_PER_WORKER
    col0 = (wid * E_COLS) // NUM_WORKERS
    off = base - col0 * 128

    with jax.named_scope("stage_shared"):
        @pl.when(sid == 0)
        def _():
            pltpu.sync_copy(phi_hbm, phi_sh)

        @pl.when(sid == 1)
        def _():
            pltpu.sync_copy(pos_hbm, pos_sh)

    c2 = pltpu.async_copy(
        ei_hbm.at[0, pl.ds(col0 * 128, WINDOW)], src_v, sem)
    c3 = pltpu.async_copy(
        ei_hbm.at[1, pl.ds(col0 * 128, WINDOW)], dst_v, sem)

    zeros = jnp.zeros((LANES,), jnp.float32)

    with jax.named_scope("zero"):
        @plsc.parallel_loop(0, N_NODES // LANES, unroll=8)
        def _zero(j):
            lap_v[pl.ds(j * LANES, LANES)] = zeros
            deg_v[pl.ds(j * LANES, LANES)] = zeros

    plsc.subcore_barrier()

    with jax.named_scope("stage_local"):
        pltpu.sync_copy(phi_sh, phi_v)
        pltpu.sync_copy(pos_sh, pos_v)
        c2.wait()
        c3.wait()

    ones = jnp.ones((LANES,), jnp.float32)

    with jax.named_scope("edges"):
        @plsc.parallel_loop(off, off + E_PER_WORKER, step=LANES, unroll=4)
        def _edges(o):
            s = src_v[pl.ds(o, LANES)]
            d = dst_v[pl.ds(o, LANES)]
            dphi = plsc.load_gather(phi_v, [s]) - plsc.load_gather(phi_v, [d])
            dx = plsc.load_gather(pos_v, [s]) - plsc.load_gather(pos_v, [d])
            dy = (plsc.load_gather(pos_v, [s + N_NODES])
                  - plsc.load_gather(pos_v, [d + N_NODES]))
            dz = (plsc.load_gather(pos_v, [s + 2 * N_NODES])
                  - plsc.load_gather(pos_v, [d + 2 * N_NODES]))
            dist2 = dx * dx + dy * dy + dz * dz + 1e-8
            plsc.addupdate_scatter(lap_v, [d], dphi / dist2)
            plsc.addupdate_scatter(deg_v, [d], ones)

    with jax.named_scope("out"):
        o0 = pltpu.async_copy(lap_v, out_hbm.at[wid], sem)
        o1 = pltpu.async_copy(deg_v, out_hbm.at[NUM_WORKERS + wid], sem)
        o0.wait()
        o1.wait()


_sc_partials = functools.partial(
    pl.kernel,
    out_type=jax.ShapeDtypeStruct((2 * NUM_WORKERS, N_NODES), jnp.float32),
    mesh=plsc.VectorSubcoreMesh(core_axis_name="c", subcore_axis_name="s",
                                num_cores=NUM_CORES,
                                num_subcores=NUM_SUBCORES),
    compiler_params=pltpu.CompilerParams(needs_layout_passes=False),
    scratch_types=[
        pltpu.VMEM((N_NODES,), jnp.float32),
        pltpu.VMEM((3 * N_NODES,), jnp.float32),
        pltpu.VMEM((WINDOW,), jnp.int32),
        pltpu.VMEM((WINDOW,), jnp.int32),
        pltpu.VMEM((N_NODES,), jnp.float32),
        pltpu.VMEM((N_NODES,), jnp.float32),
        pltpu.VMEM_SHARED((N_NODES,), jnp.float32),
        pltpu.VMEM_SHARED((3 * N_NODES,), jnp.float32),
        pltpu.SemaphoreType.DMA,
    ],
)(_sc_body)


def _finalize_body(part_ref, out_ref):
    part = part_ref[...]
    lap = jnp.sum(part[:NUM_WORKERS, :], axis=0)
    deg = jnp.sum(part[NUM_WORKERS:, :], axis=0)
    curv = lap / (deg + 1e-8)
    out_ref[0, 0] = WEIGHT_CONST * jnp.sum(curv * curv) / float(N_NODES)


def kernel(x, pos, edge_index):
    phi = x[:, 8]
    pos_t = jnp.reshape(jnp.swapaxes(pos, 0, 1), (-1,))

    part = _sc_partials(phi, pos_t, edge_index)

    loss = pl.pallas_call(
        _finalize_body,
        out_shape=jax.ShapeDtypeStruct((1, 1), jnp.float32),
        in_specs=[pl.BlockSpec((2 * NUM_WORKERS, N_NODES), lambda: (0, 0))],
        out_specs=pl.BlockSpec(memory_space=pltpu.SMEM),
    )(part)
    return jnp.reshape(loss, ())

# --- scband reference (transcript-rebuilt; emitter-appended) ---
"""Pipeline reference for scband-curvature-regularization-20246475833445 (READ-ONLY COPY).

The authoritative reference and input builder live on the scoring server;
editing this copy changes nothing except your own understanding.
"""

import jax, jax.numpy as jnp
import numpy as np

N = 10000
E = 320000
D = 128
WEIGHT = 0.01

def setup_inputs(seed: int = 0) -> dict:
    key = jax.random.key(seed)
    k1, k2, k3 = jax.random.split(key, 3)
    x = jax.random.normal(k1, (N, D), dtype=jnp.float32)
    pos = jax.random.normal(k2, (N, 3), dtype=jnp.float32)
    edge_index = jax.random.randint(k3, (2, E), 0, N, dtype=jnp.int32)
    return {"x": x, "pos": pos, "edge_index": edge_index}

def compute_curvature(phi, pos, edge_index):
    # Discrete graph Laplacian curvature estimate:
    # kappa_i = (1/deg_i) * sum_{j in N(i)} (phi_j - phi_i) / ||pos_j - pos_i||^2
    src = edge_index[0]
    dst = edge_index[1]
    dphi = phi[src] - phi[dst]
    dpos = pos[src] - pos[dst]
    dist2 = jnp.sum(dpos * dpos, axis=-1) + 1e-8
    contrib = dphi / dist2
    lap = jnp.zeros((phi.shape[0],), dtype=phi.dtype).at[dst].add(contrib)
    deg = jnp.zeros((phi.shape[0],), dtype=phi.dtype).at[dst].add(jnp.ones_like(contrib))
    curvature = lap / (deg + 1e-8)
    return curvature

def reference(x, pos, edge_index):
    phi = x[:, 8]
    curvature = compute_curvature(phi, pos, edge_index)
    curv_loss = jnp.mean(curvature ** 2)
    return WEIGHT * curv_loss

if __name__ == "__main__":
    import jax
    _d = setup_inputs()
    print(jax.jit(kernel)(*tuple(_d.values())))

</pallas_src>

<mosaic_0001>
#map = affine_map<(d0, d1) -> (0)>
#map1 = affine_map<(d0, d1) -> (0, 0)>
module attributes {stable_mosaic.version = 14 : i64} {
  func.func @_sc_body(%arg0: i32, %arg1: i32, %arg2: memref<10000xf32, #tpu.memory_space<hbm>>, %arg3: memref<30000xf32, #tpu.memory_space<hbm>>, %arg4: memref<2x320000xi32, #tpu.memory_space<hbm>>, %arg5: memref<64x10000xf32, #tpu.memory_space<hbm>>, %arg6: memref<10000xf32, #tpu.memory_space<vmem>>, %arg7: memref<30000xf32, #tpu.memory_space<vmem>>, %arg8: memref<10112xi32, #tpu.memory_space<vmem>>, %arg9: memref<10112xi32, #tpu.memory_space<vmem>>, %arg10: memref<10000xf32, #tpu.memory_space<vmem>>, %arg11: memref<10000xf32, #tpu.memory_space<vmem>>, %arg12: memref<10000xf32, #tpu.memory_space<vmem_shared>>, %arg13: memref<30000xf32, #tpu.memory_space<vmem_shared>>, %arg14: memref<!tpu.dma_semaphore, #tpu.memory_space<semaphore_mem>>) attributes {dimension_semantics = [#tpu.dimension_semantics<core_parallel>, #tpu.dimension_semantics<subcore_parallel>], iteration_bounds = array<i64: 2, 16>, scalar_prefetch = 0 : i64, scratch_operands = 9 : i64, tpu.core_type = #tpu.core_type<sc_vector_subcore>, window_params = [{transform_indices = #map}, {transform_indices = #map}, {transform_indices = #map1}, {transform_indices = #map1}]} {
    %mul3A = arith.constant 2 : i32
    %mul3A_0 = arith.muli %arg1, %mul3A : i32
    %add3A = arith.addi %mul3A_0, %arg0 : i32
    %mul3A_1 = arith.constant 10000 : i32
    %mul3A_2 = arith.muli %add3A, %mul3A_1 : i32
    %mul3A_3 = arith.constant 2500 : i32
    %mul3A_4 = arith.muli %add3A, %mul3A_3 : i32
    %jit3A = arith.constant 32 : i32
    %div3A = arith.divsi %mul3A_4, %jit3A : i32
    %sign3A = arith.constant 0 : i32
    %sign3A_5 = arith.cmpi sgt, %mul3A_4, %sign3A : i32
    %sign3A_6 = arith.extui %sign3A_5 : i1 to i32
    %sign3A_7 = arith.constant 0 : i32
    %sign3A_8 = arith.cmpi slt, %mul3A_4, %sign3A_7 : i32
    %sign3A_9 = arith.extui %sign3A_8 : i1 to i32
    %sign3A_10 = arith.subi %sign3A_6, %sign3A_9 : i32
    %sign3A_11 = arith.constant 0 : i32
    %sign3A_12 = arith.cmpi sgt, %jit3A, %sign3A_11 : i32
    %sign3A_13 = arith.extui %sign3A_12 : i1 to i32
    %sign3A_14 = arith.constant 0 : i32
    %sign3A_15 = arith.cmpi slt, %jit3A, %sign3A_14 : i32
    %sign3A_16 = arith.extui %sign3A_15 : i1 to i32
    %sign3A_17 = arith.subi %sign3A_13, %sign3A_16 : i32
    %ne3A = arith.cmpi ne, %sign3A_10, %sign3A_17 : i32
    %rem3A = arith.remsi %mul3A_4, %jit3A : i32
    %ne3A_18 = arith.constant 0 : i32
    %ne3A_19 = arith.cmpi ne, %rem3A, %ne3A_18 : i32
    %and3A = arith.andi %ne3A, %ne3A_19 : i1
    %sub3A = arith.constant 1 : i32
    %sub3A_20 = arith.subi %div3A, %sub3A : i32
    %select_n3A = arith.select %and3A, %sub3A_20, %div3A : i32
    %mul3A_21 = arith.constant 128 : i32
    %mul3A_22 = arith.muli %select_n3A, %mul3A_21 : i32
    %sub3A_23 = arith.subi %mul3A_2, %mul3A_22 : i32
    %eq3A = arith.constant 0 : i32
    "tpu.trace_start"() <{level = 10 : i32, message = "stage_shared"}> : () -> ()
    %eq3A_24 = arith.cmpi eq, %arg1, %eq3A : i32
    %convert_element_type3A = arith.extui %eq3A_24 : i1 to i32
    %cond3A = arith.constant 0 : i32
    %cond3A_25 = arith.cmpi ne, %convert_element_type3A, %cond3A : i32
    scf.if %cond3A_25 {
      "tpu.region"() ({
        %run_scoped3A = tpu.sem_alloc : memref<!tpu.dma_semaphore, #tpu.memory_space<semaphore_mem>>
        tpu.enqueue_dma source(%arg2 : memref<10000xf32, #tpu.memory_space<hbm>>) target(%arg12 : memref<10000xf32, #tpu.memory_space<vmem_shared>>) target_semaphore(%run_scoped3A : memref<!tpu.dma_semaphore, #tpu.memory_space<semaphore_mem>>)
        tpu.wait_dma2 semaphore(%run_scoped3A : memref<!tpu.dma_semaphore, #tpu.memory_space<semaphore_mem>>) src(%arg2 : memref<10000xf32, #tpu.memory_space<hbm>>) dst(%arg12 : memref<10000xf32, #tpu.memory_space<vmem_shared>>)
        tpu.yield
      }) : () -> ()
    } else {
    }
    %eq3A_26 = arith.constant 1 : i32
    %eq3A_27 = arith.cmpi eq, %arg1, %eq3A_26 : i32
    %convert_element_type3A_28 = arith.extui %eq3A_27 : i1 to i32
    %cond3A_29 = arith.constant 0 : i32
    %cond3A_30 = arith.cmpi ne, %convert_element_type3A_28, %cond3A_29 : i32
    scf.if %cond3A_30 {
      "tpu.region"() ({
        %run_scoped3A = tpu.sem_alloc : memref<!tpu.dma_semaphore, #tpu.memory_space<semaphore_mem>>
        tpu.enqueue_dma source(%arg3 : memref<30000xf32, #tpu.memory_space<hbm>>) target(%arg13 : memref<30000xf32, #tpu.memory_space<vmem_shared>>) target_semaphore(%run_scoped3A : memref<!tpu.dma_semaphore, #tpu.memory_space<semaphore_mem>>)
        tpu.wait_dma2 semaphore(%run_scoped3A : memref<!tpu.dma_semaphore, #tpu.memory_space<semaphore_mem>>) src(%arg3 : memref<30000xf32, #tpu.memory_space<hbm>>) dst(%arg13 : memref<30000xf32, #tpu.memory_space<vmem_shared>>)
        tpu.yield
      }) : () -> ()
    } else {
    }
    "tpu.trace_stop"() : () -> ()
    %mul3A_31 = arith.constant 128 : i32
    %mul3A_32 = arith.muli %select_n3A, %mul3A_31 : i32
    %dma_start3A = arith.constant 0 : i32
    %dma_start3A_33 = tpu.memref_slice %arg4[%dma_start3A, %mul3A_32] : memref<2x320000xi32, #tpu.memory_space<hbm>> -> memref<1x10112xi32, #tpu.memory_space<hbm>>
    %dma_start3A_34 = tpu.memref_squeeze %dma_start3A_33 : memref<1x10112xi32, #tpu.memory_space<hbm>> -> memref<10112xi32, #tpu.memory_space<hbm>>
    %dma_start3A_35 = tpu.memref_slice %arg4[%dma_start3A, %mul3A_32] : memref<2x320000xi32, #tpu.memory_space<hbm>> -> memref<1x10112xi32, #tpu.memory_space<hbm>>
    %dma_start3A_36 = tpu.memref_squeeze %dma_start3A_35 : memref<1x10112xi32, #tpu.memory_space<hbm>> -> memref<10112xi32, #tpu.memory_space<hbm>>
    tpu.enqueue_dma source(%dma_start3A_36 : memref<10112xi32, #tpu.memory_space<hbm>>) target(%arg8 : memref<10112xi32, #tpu.memory_space<vmem>>) target_semaphore(%arg14 : memref<!tpu.dma_semaphore, #tpu.memory_space<semaphore_mem>>)
    %mul3A_37 = arith.constant 128 : i32
    %mul3A_38 = arith.muli %select_n3A, %mul3A_37 : i32
    %dma_start3A_39 = arith.constant 1 : i32
    %dma_start3A_40 = tpu.memref_slice %arg4[%dma_start3A_39, %mul3A_38] : memref<2x320000xi32, #tpu.memory_space<hbm>> -> memref<1x10112xi32, #tpu.memory_space<hbm>>
    %dma_start3A_41 = tpu.memref_squeeze %dma_start3A_40 : memref<1x10112xi32, #tpu.memory_space<hbm>> -> memref<10112xi32, #tpu.memory_space<hbm>>
    %dma_start3A_42 = tpu.memref_slice %arg4[%dma_start3A_39, %mul3A_38] : memref<2x320000xi32, #tpu.memory_space<hbm>> -> memref<1x10112xi32, #tpu.memory_space<hbm>>
    %dma_start3A_43 = tpu.memref_squeeze %dma_start3A_42 : memref<1x10112xi32, #tpu.memory_space<hbm>> -> memref<10112xi32, #tpu.memory_space<hbm>>
    tpu.enqueue_dma source(%dma_start3A_43 : memref<10112xi32, #tpu.memory_space<hbm>>) target(%arg9 : memref<10112xi32, #tpu.memory_space<vmem>>) target_semaphore(%arg14 : memref<!tpu.dma_semaphore, #tpu.memory_space<semaphore_mem>>)
    %broadcast_in_dim3A = arith.constant 0.000000e+00 : f32
    %broadcast_in_dim3A_44 = vector.broadcast %broadcast_in_dim3A : f32 to vector<16xf32>
    %parallel_loop3A = arith.constant 0 : i32
    %parallel_loop3A_45 = arith.constant 625 : i32
    %parallel_loop3A_46 = arith.constant 1 : i32
    "tpu.trace_start"() <{level = 10 : i32, message = "zero"}> : () -> ()
    scf.for %parallel_loop3A_87 = %parallel_loop3A to %parallel_loop3A_45 step %parallel_loop3A_46  : i32 {
      %parallel_loop3A_88 = arith.constant 16 : i32
      %parallel_loop3A_89 = arith.muli %parallel_loop3A_87, %parallel_loop3A_88 : i32
      %parallel_loop3A_90 = arith.index_cast %parallel_loop3A_89 : i32 to index
      %parallel_loop3A_91 = tpu.vector_load %arg10[%parallel_loop3A_90] {strides = array<i32>} : memref<10000xf32, #tpu.memory_space<vmem>>, vector<16xf32>,
      tpu.vector_store %arg10[%parallel_loop3A_90], %broadcast_in_dim3A_44 {strides = array<i32>} : memref<10000xf32, #tpu.memory_space<vmem>>, vector<16xf32>,
      %parallel_loop3A_92 = arith.constant 16 : i32
      %parallel_loop3A_93 = arith.muli %parallel_loop3A_87, %parallel_loop3A_92 : i32
      %parallel_loop3A_94 = arith.index_cast %parallel_loop3A_93 : i32 to index
      %parallel_loop3A_95 = tpu.vector_load %arg11[%parallel_loop3A_94] {strides = array<i32>} : memref<10000xf32, #tpu.memory_space<vmem>>, vector<16xf32>,
      tpu.vector_store %arg11[%parallel_loop3A_94], %broadcast_in_dim3A_44 {strides = array<i32>} : memref<10000xf32, #tpu.memory_space<vmem>>, vector<16xf32>,
    } {sc.loop_unroll_factor = 8 : i64, sc.parallel_access}
    "tpu.trace_stop"() : () -> ()
    %barrier3A = arith.constant 0 : index
    tpu.barrier barrier_id(%barrier3A)
    "tpu.trace_start"() <{level = 10 : i32, message = "stage_local"}> : () -> ()
    "tpu.region"() ({
      %run_scoped3A = tpu.sem_alloc : memref<!tpu.dma_semaphore, #tpu.memory_space<semaphore_mem>>
      tpu.enqueue_dma source(%arg12 : memref<10000xf32, #tpu.memory_space<vmem_shared>>) target(%arg6 : memref<10000xf32, #tpu.memory_space<vmem>>) target_semaphore(%run_scoped3A : memref<!tpu.dma_semaphore, #tpu.memory_space<semaphore_mem>>)
      tpu.wait_dma2 semaphore(%run_scoped3A : memref<!tpu.dma_semaphore, #tpu.memory_space<semaphore_mem>>) src(%arg12 : memref<10000xf32, #tpu.memory_space<vmem_shared>>) dst(%arg6 : memref<10000xf32, #tpu.memory_space<vmem>>)
      tpu.yield
    }) : () -> ()
    "tpu.region"() ({
      %run_scoped3A = tpu.sem_alloc : memref<!tpu.dma_semaphore, #tpu.memory_space<semaphore_mem>>
      tpu.enqueue_dma source(%arg13 : memref<30000xf32, #tpu.memory_space<vmem_shared>>) target(%arg7 : memref<30000xf32, #tpu.memory_space<vmem>>) target_semaphore(%run_scoped3A : memref<!tpu.dma_semaphore, #tpu.memory_space<semaphore_mem>>)
      tpu.wait_dma2 semaphore(%run_scoped3A : memref<!tpu.dma_semaphore, #tpu.memory_space<semaphore_mem>>) src(%arg13 : memref<30000xf32, #tpu.memory_space<vmem_shared>>) dst(%arg7 : memref<30000xf32, #tpu.memory_space<vmem>>)
      tpu.yield
    }) : () -> ()
    %dma_wait3A = arith.constant 0 : i32
    %dma_wait3A_47 = tpu.memref_slice %arg4[%dma_wait3A, %mul3A_32] : memref<2x320000xi32, #tpu.memory_space<hbm>> -> memref<1x10112xi32, #tpu.memory_space<hbm>>
    %dma_wait3A_48 = tpu.memref_squeeze %dma_wait3A_47 : memref<1x10112xi32, #tpu.memory_space<hbm>> -> memref<10112xi32, #tpu.memory_space<hbm>>
    %dma_wait3A_49 = tpu.memref_slice %arg4[%dma_wait3A, %mul3A_32] : memref<2x320000xi32, #tpu.memory_space<hbm>> -> memref<1x10112xi32, #tpu.memory_space<hbm>>
    %dma_wait3A_50 = tpu.memref_squeeze %dma_wait3A_49 : memref<1x10112xi32, #tpu.memory_space<hbm>> -> memref<10112xi32, #tpu.memory_space<hbm>>
    tpu.wait_dma2 semaphore(%arg14 : memref<!tpu.dma_semaphore, #tpu.memory_space<semaphore_mem>>) src(%dma_wait3A_50 : memref<10112xi32, #tpu.memory_space<hbm>>) dst(%arg8 : memref<10112xi32, #tpu.memory_space<vmem>>)
    %dma_wait3A_51 = arith.constant 1 : i32
    %dma_wait3A_52 = tpu.memref_slice %arg4[%dma_wait3A_51, %mul3A_38] : memref<2x320000xi32, #tpu.memory_space<hbm>> -> memref<1x10112xi32, #tpu.memory_space<hbm>>
    %dma_wait3A_53 = tpu.memref_squeeze %dma_wait3A_52 : memref<1x10112xi32, #tpu.memory_space<hbm>> -> memref<10112xi32, #tpu.memory_space<hbm>>
    %dma_wait3A_54 = tpu.memref_slice %arg4[%dma_wait3A_51, %mul3A_38] : memref<2x320000xi32, #tpu.memory_space<hbm>> -> memref<1x10112xi32, #tpu.memory_space<hbm>>
    %dma_wait3A_55 = tpu.memref_squeeze %dma_wait3A_54 : memref<1x10112xi32, #tpu.memory_space<hbm>> -> memref<10112xi32, #tpu.memory_space<hbm>>
    tpu.wait_dma2 semaphore(%arg14 : memref<!tpu.dma_semaphore, #tpu.memory_space<semaphore_mem>>) src(%dma_wait3A_55 : memref<10112xi32, #tpu.memory_space<hbm>>) dst(%arg9 : memref<10112xi32, #tpu.memory_space<vmem>>)
    %broadcast_in_dim3A_56 = arith.constant 1.000000e+00 : f32
    "tpu.trace_stop"() : () -> ()
    %broadcast_in_dim3A_57 = vector.broadcast %broadcast_in_dim3A_56 : f32 to vector<16xf32>
    "tpu.trace_start"() <{level = 10 : i32, message = "edges"}> : () -> ()
    %add3A_58 = arith.constant 10000 : i32
    %add3A_59 = arith.addi %sub3A_23, %add3A_58 : i32
    %parallel_loop3A_60 = arith.constant 16 : i32
    scf.for %parallel_loop3A_87 = %sub3A_23 to %add3A_59 step %parallel_loop3A_60  : i32 {
      %parallel_loop3A_88 = arith.index_cast %parallel_loop3A_87 : i32 to index
      %parallel_loop3A_89 = tpu.vector_load %arg8[%parallel_loop3A_88] {strides = array<i32>} : memref<10112xi32, #tpu.memory_space<vmem>>, vector<16xi32>,
      %parallel_loop3A_90 = arith.index_cast %parallel_loop3A_87 : i32 to index
      %parallel_loop3A_91 = tpu.vector_load %arg9[%parallel_loop3A_90] {strides = array<i32>} : memref<10112xi32, #tpu.memory_space<vmem>>, vector<16xi32>,
      %parallel_loop3A_92 = tpu.vector_load_idx %arg6[%parallel_loop3A_89] : memref<10000xf32, #tpu.memory_space<vmem>>[vector<16xi32>], vector<16xf32>,
      %parallel_loop3A_93 = tpu.vector_load_idx %arg6[%parallel_loop3A_91] : memref<10000xf32, #tpu.memory_space<vmem>>[vector<16xi32>], vector<16xf32>,
      %parallel_loop3A_94 = arith.subf %parallel_loop3A_92, %parallel_loop3A_93 : vector<16xf32>
      %parallel_loop3A_95 = tpu.vector_load_idx %arg7[%parallel_loop3A_89] : memref<30000xf32, #tpu.memory_space<vmem>>[vector<16xi32>], vector<16xf32>,
      %parallel_loop3A_96 = tpu.vector_load_idx %arg7[%parallel_loop3A_91] : memref<30000xf32, #tpu.memory_space<vmem>>[vector<16xi32>], vector<16xf32>,
      %parallel_loop3A_97 = arith.subf %parallel_loop3A_95, %parallel_loop3A_96 : vector<16xf32>
      %parallel_loop3A_98 = arith.constant 10000 : i32
      %parallel_loop3A_99 = vector.broadcast %parallel_loop3A_98 : i32 to vector<16xi32>
      %parallel_loop3A_100 = arith.addi %parallel_loop3A_89, %parallel_loop3A_99 : vector<16xi32>
      %parallel_loop3A_101 = tpu.vector_load_idx %arg7[%parallel_loop3A_100] : memref<30000xf32, #tpu.memory_space<vmem>>[vector<16xi32>], vector<16xf32>,
      %parallel_loop3A_102 = arith.constant 10000 : i32
      %parallel_loop3A_103 = vector.broadcast %parallel_loop3A_102 : i32 to vector<16xi32>
      %parallel_loop3A_104 = arith.addi %parallel_loop3A_91, %parallel_loop3A_103 : vector<16xi32>
      %parallel_loop3A_105 = tpu.vector_load_idx %arg7[%parallel_loop3A_104] : memref<30000xf32, #tpu.memory_space<vmem>>[vector<16xi32>], vector<16xf32>,
      %parallel_loop3A_106 = arith.subf %parallel_loop3A_101, %parallel_loop3A_105 : vector<16xf32>
      %parallel_loop3A_107 = arith.constant 20000 : i32
      %parallel_loop3A_108 = vector.broadcast %parallel_loop3A_107 : i32 to vector<16xi32>
      %parallel_loop3A_109 = arith.addi %parallel_loop3A_89, %parallel_loop3A_108 : vector<16xi32>
      %parallel_loop3A_110 = tpu.vector_load_idx %arg7[%parallel_loop3A_109] : memref<30000xf32, #tpu.memory_space<vmem>>[vector<16xi32>], vector<16xf32>,
      %parallel_loop3A_111 = arith.constant 20000 : i32
      %parallel_loop3A_112 = vector.broadcast %parallel_loop3A_111 : i32 to vector<16xi32>
      %parallel_loop3A_113 = arith.addi %parallel_loop3A_91, %parallel_loop3A_112 : vector<16xi32>
      %parallel_loop3A_114 = tpu.vector_load_idx %arg7[%parallel_loop3A_113] : memref<30000xf32, #tpu.memory_space<vmem>>[vector<16xi32>], vector<16xf32>,
      %parallel_loop3A_115 = arith.subf %parallel_loop3A_110, %parallel_loop3A_114 : vector<16xf32>
      %parallel_loop3A_116 = arith.mulf %parallel_loop3A_97, %parallel_loop3A_97 : vector<16xf32>
      %parallel_loop3A_117 = arith.mulf %parallel_loop3A_106, %parallel_loop3A_106 : vector<16xf32>
      %parallel_loop3A_118 = arith.addf %parallel_loop3A_116, %parallel_loop3A_117 : vector<16xf32>
      %parallel_loop3A_119 = arith.mulf %parallel_loop3A_115, %parallel_loop3A_115 : vector<16xf32>
      %parallel_loop3A_120 = arith.addf %parallel_loop3A_118, %parallel_loop3A_119 : vector<16xf32>
      %parallel_loop3A_121 = arith.constant 9.99999993E-9 : f32
      %parallel_loop3A_122 = vector.broadcast %parallel_loop3A_121 : f32 to vector<16xf32>
      %parallel_loop3A_123 = arith.addf %parallel_loop3A_120, %parallel_loop3A_122 : vector<16xf32>
      %parallel_loop3A_124 = arith.divf %parallel_loop3A_94, %parallel_loop3A_123 : vector<16xf32>
      tpu.vector_store_idx %arg10[%parallel_loop3A_91], %parallel_loop3A_124 {add = true} : memref<10000xf32, #tpu.memory_space<vmem>>[vector<16xi32>], vector<16xf32>,
      tpu.vector_store_idx %arg11[%parallel_loop3A_91], %broadcast_in_dim3A_57 {add = true} : memref<10000xf32, #tpu.memory_space<vmem>>[vector<16xi32>], vector<16xf32>,
    } {sc.loop_unroll_factor = 4 : i64, sc.parallel_access}
    "tpu.trace_stop"() : () -> ()
    "tpu.trace_start"() <{level = 10 : i32, message = "out"}> : () -> ()
    %dma_start3A_61 = arith.constant 0 : i32
    %dma_start3A_62 = tpu.memref_slice %arg5[%add3A, %dma_start3A_61] : memref<64x10000xf32, #tpu.memory_space<hbm>> -> memref<1x10000xf32, #tpu.memory_space<hbm>>
    %dma_start3A_63 = tpu.memref_squeeze %dma_start3A_62 : memref<1x10000xf32, #tpu.memory_space<hbm>> -> memref<10000xf32, #tpu.memory_space<hbm>>
    %dma_start3A_64 = arith.constant 0 : i32
    %dma_start3A_65 = tpu.memref_slice %arg5[%add3A, %dma_start3A_64] : memref<64x10000xf32, #tpu.memory_space<hbm>> -> memref<1x10000xf32, #tpu.memory_space<hbm>>
    %dma_start3A_66 = tpu.memref_squeeze %dma_start3A_65 : memref<1x10000xf32, #tpu.memory_space<hbm>> -> memref<10000xf32, #tpu.memory_space<hbm>>
    tpu.enqueue_dma source(%arg10 : memref<10000xf32, #tpu.memory_space<vmem>>) target(%dma_start3A_66 : memref<10000xf32, #tpu.memory_space<hbm>>) target_semaphore(%arg14 : memref<!tpu.dma_semaphore, #tpu.memory_space<semaphore_mem>>)
    %add3A_67 = arith.constant 32 : i32
    %add3A_68 = arith.addi %add3A_67, %add3A : i32
    %dma_start3A_69 = arith.constant 0 : i32
    %dma_start3A_70 = tpu.memref_slice %arg5[%add3A_68, %dma_start3A_69] : memref<64x10000xf32, #tpu.memory_space<hbm>> -> memref<1x10000xf32, #tpu.memory_space<hbm>>
    %dma_start3A_71 = tpu.memref_squeeze %dma_start3A_70 : memref<1x10000xf32, #tpu.memory_space<hbm>> -> memref<10000xf32, #tpu.memory_space<hbm>>
    %dma_start3A_72 = arith.constant 0 : i32
    %dma_start3A_73 = tpu.memref_slice %arg5[%add3A_68, %dma_start3A_72] : memref<64x10000xf32, #tpu.memory_space<hbm>> -> memref<1x10000xf32, #tpu.memory_space<hbm>>
    %dma_start3A_74 = tpu.memref_squeeze %dma_start3A_73 : memref<1x10000xf32, #tpu.memory_space<hbm>> -> memref<10000xf32, #tpu.memory_space<hbm>>
    tpu.enqueue_dma source(%arg11 : memref<10000xf32, #tpu.memory_space<vmem>>) target(%dma_start3A_74 : memref<10000xf32, #tpu.memory_space<hbm>>) target_semaphore(%arg14 : memref<!tpu.dma_semaphore, #tpu.memory_space<semaphore_mem>>)
    %dma_wait3A_75 = arith.constant 0 : i32
    %dma_wait3A_76 = tpu.memref_slice %arg5[%add3A, %dma_wait3A_75] : memref<64x10000xf32, #tpu.memory_space<hbm>> -> memref<1x10000xf32, #tpu.memory_space<hbm>>
    %dma_wait3A_77 = tpu.memref_squeeze %dma_wait3A_76 : memref<1x10000xf32, #tpu.memory_space<hbm>> -> memref<10000xf32, #tpu.memory_space<hbm>>
    %dma_wait3A_78 = arith.constant 0 : i32
    %dma_wait3A_79 = tpu.memref_slice %arg5[%add3A, %dma_wait3A_78] : memref<64x10000xf32, #tpu.memory_space<hbm>> -> memref<1x10000xf32, #tpu.memory_space<hbm>>
    %dma_wait3A_80 = tpu.memref_squeeze %dma_wait3A_79 : memref<1x10000xf32, #tpu.memory_space<hbm>> -> memref<10000xf32, #tpu.memory_space<hbm>>
    tpu.wait_dma2 semaphore(%arg14 : memref<!tpu.dma_semaphore, #tpu.memory_space<semaphore_mem>>) src(%arg10 : memref<10000xf32, #tpu.memory_space<vmem>>) dst(%dma_wait3A_80 : memref<10000xf32, #tpu.memory_space<hbm>>)
    %dma_wait3A_81 = arith.constant 0 : i32
    %dma_wait3A_82 = tpu.memref_slice %arg5[%add3A_68, %dma_wait3A_81] : memref<64x10000xf32, #tpu.memory_space<hbm>> -> memref<1x10000xf32, #tpu.memory_space<hbm>>
    %dma_wait3A_83 = tpu.memref_squeeze %dma_wait3A_82 : memref<1x10000xf32, #tpu.memory_space<hbm>> -> memref<10000xf32, #tpu.memory_space<hbm>>
    %dma_wait3A_84 = arith.constant 0 : i32
    %dma_wait3A_85 = tpu.memref_slice %arg5[%add3A_68, %dma_wait3A_84] : memref<64x10000xf32, #tpu.memory_space<hbm>> -> memref<1x10000xf32, #tpu.memory_space<hbm>>
    %dma_wait3A_86 = tpu.memref_squeeze %dma_wait3A_85 : memref<1x10000xf32, #tpu.memory_space<hbm>> -> memref<10000xf32, #tpu.memory_space<hbm>>
    tpu.wait_dma2 semaphore(%arg14 : memref<!tpu.dma_semaphore, #tpu.memory_space<semaphore_mem>>) src(%arg11 : memref<10000xf32, #tpu.memory_space<vmem>>) dst(%dma_wait3A_86 : memref<10000xf32, #tpu.memory_space<hbm>>)
    "tpu.trace_stop"() : () -> ()
    return
  }
}

module attributes {stable_mosaic.version = 14 : i64} {
  func.func @_finalize_body(%arg0: memref<64x10000xf32, #tpu.memory_space<vmem>>, %arg1: memref<1x1xf32, #tpu.memory_space<smem>>) attributes {dimension_semantics = [], scalar_prefetch = 0 : i64, scratch_operands = 0 : i64, tpu.core_type = #tpu.core_type<tc>} {
    %get3A = arith.constant 0 : index
    %get3A_0 = arith.constant 0 : index
    %get3A_1 = vector.load %arg0[%get3A, %get3A_0] : memref<64x10000xf32, #tpu.memory_space<vmem>>, vector<64x10000xf32>
    %slice3A = vector.extract_strided_slice %get3A_1 {offsets = [0, 0], sizes = [32, 10000], strides = [1, 1]} : vector<64x10000xf32> to vector<32x10000xf32>
    %reduce_sum3A = arith.constant dense<0.000000e+00> : vector<10000xf32>
    %reduce_sum3A_2 = vector.multi_reduction <add>, %slice3A, %reduce_sum3A [0] : vector<32x10000xf32> to vector<10000xf32>
    %slice3A_3 = vector.extract_strided_slice %get3A_1 {offsets = [32, 0], sizes = [32, 10000], strides = [1, 1]} : vector<64x10000xf32> to vector<32x10000xf32>
    %reduce_sum3A_4 = arith.constant dense<0.000000e+00> : vector<10000xf32>
    %reduce_sum3A_5 = vector.multi_reduction <add>, %slice3A_3, %reduce_sum3A_4 [0] : vector<32x10000xf32> to vector<10000xf32>
    %add3A = arith.constant 9.99999993E-9 : f32
    %add3A_6 = vector.broadcast %add3A : f32 to vector<10000xf32>
    %add3A_7 = arith.addf %reduce_sum3A_5, %add3A_6 : vector<10000xf32>
    %div3A = arith.divf %reduce_sum3A_2, %add3A_7 : vector<10000xf32>
    %mul3A = arith.mulf %div3A, %div3A : vector<10000xf32>
    %reduce_sum3A_8 = vector.shape_cast %mul3A : vector<10000xf32> to vector<1x10000xf32>
    %reduce_sum3A_9 = arith.constant dense<0.000000e+00> : vector<1xf32>
    %reduce_sum3A_10 = vector.multi_reduction <add>, %reduce_sum3A_8, %reduce_sum3A_9 [1] : vector<1x10000xf32> to vector<1xf32>
    %reduce_sum3A_11 = vector.shape_cast %reduce_sum3A_10 : vector<1xf32> to vector<1x1xf32>
    %reduce_sum3A_12 = vector.extract %reduce_sum3A_11[0, 0] : f32 from vector<1x1xf32>
    %mul3A_13 = arith.constant 0.00999999977 : f32
    %mul3A_14 = arith.mulf %mul3A_13, %reduce_sum3A_12 : f32
    %div3A_15 = arith.constant 1.000000e+04 : f32
    %div3A_16 = arith.divf %mul3A_14, %div3A_15 : f32
    %swap3A = arith.constant 0 : index
    %swap3A_17 = arith.constant 0 : index
    %swap3A_18 = memref.load %arg1[%swap3A, %swap3A_17] : memref<1x1xf32, #tpu.memory_space<smem>>
    memref.store %div3A_16, %arg1[%swap3A, %swap3A_17] : memref<1x1xf32, #tpu.memory_space<smem>>
    return
  }
}

</mosaic_0001>

<sc_bundles>
// kernel: kernel.4.cloned.1.call-start
scs
__scs_entry_jumppad:
0x0: {  	(pc) =	sbr.rel $0x88, $3  }
0x1: {  	(tag) =	ssettag $0x0;
	lr =	simm.s32 $0x1  }
0x2: {  	[smem:$0x3F9E] =	sst lr;
	_ =	strace $0xD0000000  }
0x3: {  	_ = 	snop  }
0x4: {  	_ = 	snop  }
0x5: {  	_ = 	snop  }
0x6: {  	_ = 	snop  }
0x7: {  	_ = 	snop  }
__scs_overlays_trampoline_lowered:
0x8: {  	[smem:$0x3FAD] =	sst s0  }
0x9: {  	[smem:$0x3FAE] =	sst s1  }
0xa: {  	[smem:$0x3FAF] =	sst s2  }
0xb: {  	[smem:$0x3FB0] =	sst s3  }
0xc: {  	[smem:$0x3FB1] =	sst s4  }
0xd: {  	[smem:$0x3FB2] =	sst s5  }
0xe: {  	[smem:$0x3FB3] =	sst s6  }
0xf: {  	[smem:$0x3FB4] =	sst s7  }
0x10: {  	[smem:$0x3FB5] =	sst s8  }
0x11: {  	[smem:$0x3FB6] =	sst s9;
	s0 =	simm.s32 @!p0 $0x0  }
0x12: {  	s1 =	sld [smem:$0x3F9C];
	s0 =	simm.s32 @p0 $0x1  }
0x13: {  	[smem:$0x3FB7] =	sst s0;
	s0 =	simm.s32 @!p1 $0x0  }
0x14: {  	s2 =	sld [smem:$0x3F9B];
	s0 =	simm.s32 @p1 $0x1  }
0x15: {  	[smem:$0x3FB8] =	sst s0;
	s0 =	simm.s32 @!p2 $0x0  }
0x16: {  	s3 =	sld [smem:$0x3FDB];
	s0 =	simm.s32 @p2 $0x1  }
0x17: {  	s4 =	simm.s32 $0x1BF5;
	[smem:$0x3FBA] =	sst s0  }
0x18: {  	s0 =	sld [smem:$0x3F9D];
	_ =	swait.ge [sflag:s4], $0x0  }
0x19: {  	s7 =	sld [smem:$0x3F9E]  }
0x1a: {  	s8 =	sadd.s32 $0xFFFFE003, lr  }
0x1b: {  	s9 =	sadd.s32 $0xFFFFFEF7, lr;
	s5 =	simm.s32 $0xFFFFFFFF;
	p2 =	slt.u32 s8, $0xFFFFF086  }
0x1c: {  	p1 =	slt.u32 s9, $0xF7A;
	s5 =	simm.s32 @!p2 $0x0  }
0x1d: {  	s5 =	simm.s32 @p1 $0x1;
	p0 =	seq.s32 s7, s2  }
0x1e: {  	s7 =	smul.u32 @!p0 $0xF7A, s2;
	p2 =	seq.s32 @!p0 s5, $0x0  }
0x1f: {  	s9 =	smul.u32 $0xF7A, s1;
	s8 =	simm.s32 @!p0 $0x1BF5;
	p2 =	por !p2, p0  }
0x20: {  	[sflag:s8] =	ssyncset.s32 @!p0 $0xFFFFF086;
	s6 =	sadd.s32 @!p0 s3, s7;
	s7 =	simm.s32 @!p0 $0x108  }
0x21: {  	s3 =	sadd.s32 s3, s9;
	s6 =	sadd.s32 @!p0 $0x88, s6;
	s7 =	simm.s32 @p2 $0x1082  }
0x22: {  	[simem:s7], [sflag:s8] =	dma.local @!p0 [hbm:s6], $0xF7A  }
0x23: {  	s9 =	sor.u32 $0xD0000000, s2;
	s6 =	simm.s32 $0x108;
	_ =	swait.ge @!p0 [sflag:s8], $0x0  }
0x24: {  	s3 =	sadd.s32 $0x88, s3;
	s6 =	simm.s32 @!p1 $0x1082;
	[sflag:s4] =	ssyncset.s32 $0xFFFFF086  }
0x25: {  	[simem:s6], [sflag:s4] =	dma.local [hbm:s3], $0xF7A  }
0x26: {  	[smem:$0x3F9E] =	sst s1;
	(tag) =	ssettag s2;
	_ =	strace s9  }
0x27: {  	s1 =	sld [smem:$0x3FAE]  }
0x28: {  	s2 =	sld [smem:$0x3FAF]  }
0x29: {  	s4 =	sld [smem:$0x3FB1]  }
0x2a: {  	p0 =	seq.s32 s5, $0x0;
	s5 =	sld [smem:$0x3FB2]  }
0x2b: {  	s6 =	sld [smem:$0x3FB3]  }
0x2c: {  	s7 =	sld [smem:$0x3FB4]  }
0x2d: {  	s3 =	simm.s32 $0x108;
	s8 =	sld [smem:$0x3FB5]  }
0x2e: {  	s3 =	simm.s32 @!p0 $0x1082;
	s9 =	sld [smem:$0x3FB6]  }
0x2f: {  	lr =	sadd.s32 s0, s3;
	s0 =	sld [smem:$0x3FAD]  }
0x30: {  	s3 =	sld [smem:$0x3FB0]  }
0x31: {  	[smem:$0x3FB9] =	sst s10  }
0x32: {  	s10 =	sld [smem:$0x3FB7];
	_ =	sdelay $0x3  }
0x33: {  	p0 =	seq.s32 s10, $0x1;
	s10 =	sld [smem:$0x3FB9];
	_ =	sdelay $0x3  }
0x34: {  	[smem:$0x3FB9] =	sst s10  }
0x35: {  	s10 =	sld [smem:$0x3FB8];
	_ =	sdelay $0x3  }
0x36: {  	p1 =	seq.s32 s10, $0x1;
	s10 =	sld [smem:$0x3FB9];
	_ =	sdelay $0x3  }
0x37: {  	[smem:$0x3FB9] =	sst s10  }
0x38: {  	s10 =	sld [smem:$0x3FBA]  }
0x39: {  	_ = 	snop;
	(pc) =	sbr.ind lr, $3  }
0x3a: {  	_ = 	snop  }
0x3b: {  	_ = 	snop  }
0x3c: {  	p2 =	seq.s32 s10, $0x1;
	s10 =	sld [smem:$0x3FB9]  }
0x3d: {  	_ =	shalt  }
0x3e: {  	_ =	shalt  }
0x3f: {  	_ =	shalt  }
0x40: {  	_ =	shalt  }
0x41: {  	_ =	shalt  }
0x42: {  	_ =	shalt  }
0x43: {  	_ =	shalt  }
0x44: {  	_ =	shalt  }
0x45: {  	_ =	shalt  }
0x46: {  	_ =	shalt  }
0x47: {  	_ =	shalt  }
0x48: {  	_ =	shalt  }
0x49: {  	_ =	shalt  }
0x4a: {  	_ =	shalt  }
0x4b: {  	_ =	shalt  }
0x4c: {  	_ =	shalt  }
0x4d: {  	_ =	shalt  }
0x4e: {  	_ =	shalt  }
0x4f: {  	_ =	shalt  }
0x50: {  	_ =	shalt  }
0x51: {  	_ =	shalt  }
0x52: {  	_ =	shalt  }
0x53: {  	_ =	shalt  }
0x54: {  	_ =	shalt  }
0x55: {  	_ =	shalt  }
0x56: {  	_ =	shalt  }
0x57: {  	_ =	shalt  }
0x58: {  	_ =	shalt  }
0x59: {  	_ =	shalt  }
0x5a: {  	_ =	shalt  }
0x5b: {  	_ =	shalt  }
0x5c: {  	_ =	shalt  }
0x5d: {  	_ =	shalt  }
0x5e: {  	_ =	shalt  }
0x5f: {  	_ =	shalt  }
0x60: {  	_ =	shalt  }
0x61: {  	_ =	shalt  }
0x62: {  	_ =	shalt  }
0x63: {  	_ =	shalt  }
0x64: {  	_ =	shalt  }
0x65: {  	_ =	shalt  }
0x66: {  	_ =	shalt  }
0x67: {  	_ =	shalt  }
0x68: {  	_ =	shalt  }
0x69: {  	_ =	shalt  }
0x6a: {  	_ =	shalt  }
0x6b: {  	_ =	shalt  }
0x6c: {  	_ =	shalt  }
0x6d: {  	_ =	shalt  }
0x6e: {  	_ =	shalt  }
0x6f: {  	_ =	shalt  }
0x70: {  	_ =	shalt  }
0x71: {  	_ =	shalt  }
0x72: {  	_ =	shalt  }
0x73: {  	_ =	shalt  }
0x74: {  	_ =	shalt  }
0x75: {  	_ =	shalt  }
0x76: {  	_ =	shalt  }
0x77: {  	_ =	shalt  }
0x78: {  	_ =	shalt  }
0x79: {  	_ =	shalt  }
0x7a: {  	_ =	shalt  }
0x7b: {  	_ =	shalt  }
0x7c: {  	_ =	shalt  }
0x7d: {  	_ =	shalt  }
0x7e: {  	_ =	shalt  }
0x7f: {  	_ =	shalt  }
0x80: {  	_ =	shalt  }
0x81: {  	_ =	shalt  }
0x82: {  	_ =	shalt  }
0x83: {  	_ =	shalt  }
0x84: {  	_ =	shalt  }
0x85: {  	_ =	shalt  }
0x86: {  	_ =	shalt  }
0x87: {  	_ =	shalt  }
.Lfunc_end0:
.L_simem_size_0:
called_computation_lowered:
.L_overlay_start_0:
0x88: {  	s2 =	sld [smem:$0x3FD9]  }
0x89: {  	s3 =	sld [smem:$0x3FFE];
	_ =	sdelay $0x1  }
0x8a: {  	s1 =	srdreg.scid  }
0x8b: {  	s0 =	sand.u32 $0x1, s1  }
0x8c: {  	s17 =	sshll.u32 s0, $0xA;
	s2 =	sadd.s32 s3, s2  }
0x8d: {  	s2 =	sadd.s32 s2, s17  }
0x8e: {  	[smem:$0x3FC5] =	sst s2  }
0x8f: {  	_ = 	snop  }
0x90: {  	s2 =	sld [smem:$0x3FC7];
	(tm) =	ssettm $0x1  }
0x91: {  	s18 =	sld [smem:$0x3FFB];
	_ =	sdelay $0x3  }
0x92: {  	_ =	strace s18  }
0x93: {  	s3 =	sld [smem:$0x3FFC];
	_ =	sdelay $0x3  }
0x94: {  	_ =	strace s3  }
0x95: {  	s3 =	sld [smem:$0x3FFD];
	_ =	sdelay $0x3  }
0x96: {  	_ =	strace s3  }
0x97: {  	_ =	strace $0x8FFFFFFF  }
0x98: {  	s19 =	sld [smem:$0x3FDB];
	_ =	sdelay $0x1  }
0x99: {  	s4 =	simm.s32 $_scs_section_size  }
0x9a: {  	s5 =	simm.s32 $_size__tile_overlayer_lowered;
	s6 =	simm.s32 $_tile_overlayer_lowered  }
0x9b: {  	s22 =	simm.s32 $0x1BFF;
	s21 =	sshll.u32 s6, $0x1;
	s3 =	sadd.s32 s4, s19  }
0x9c: {  	s7 =	simm.s32 $0x0;
	s20 =	sshll.u32 s5, $0x1;
	s5 =	sadd.s32 s21, s3  }
0x9d: {  	[timem:s7], [sflag:s22] =	dma.local [hbm:s5], s20  }
0x9e: {  	_ =	swait.ge [sflag:s22], s20  }
0x9f: {  	s4 =	ssub.s32 $0x0, s20;
	[sflag:s22] =	ssyncset.done $0x0  }
0xa0: {  	[sflag:s22] =	ssyncadd.s32 s4;
	_ =	sdelay $0x1  }
0xa1: {  	s23 =	simm.s32 $0x1B8B  }
0xa2: {  	_ =	swait.ge [sflag:s23], $0x1  }
0xa3: {  	[sflag:s23] =	ssyncset.done $0x0  }
0xa4: {  	s25 =	simm.s32 $0x1B8E;
	s24 =	sld [smem:$0x3FFE];
	[sflag:s23] =	ssyncadd.s32 $0xFFFFFFFF  }
0xa5: {  	s26 =	simm.s32 $execute0_lowered;
	[smem:$0x3FD2] =	sst s25  }
0xa6: {  	s5 =	sshll.u32 s26, $0x1;
	_ =	strace $0x80000046;
	[dreg:$0x1] =	wrdreg $0xFFFFFFFF  }
0xa7: {  	s28 =	simm.s32 $_size_execute0_lowered;
	s3 =	sadd.s32 s3, s5;
	[dreg:$0x0] =	wrdreg $0x0  }
0xa8: {  	s5 =	sshll.u32 s28, $0x1;
	[dreg:$0x2] =	wrdreg s3  }
0xa9: {  	[dreg:$0x3] =	wrdreg s5  }
0xaa: {  	[dreg:$0x4] =	wrdreg $0xC0  }
0xab: {  	_ =	task [dreg:s7], $0x5FFFF  }
0xac: {  	[dreg:$0x1] =	wrdreg $0xFFFFFFFF  }
0xad: {  	[dreg:$0x0] =	wrdreg $0x60  }
0xae: {  	[dreg:$0x2] =	wrdreg s24  }
0xaf: {  	[dreg:$0x3] =	wrdreg s2  }
0xb0: {  	[dreg:$0x4] =	wrdreg $0x13B000  }
0xb1: {  	[dreg:$0x5] =	wrdreg $0x13D780  }
0xb2: {  	[dreg:$0x6] =	wrdreg $0x9  }
0xb3: {  	_ =	task.clear_ibuf [dreg:s7], $0x7FFFF;
	_ =	strace $0x90000046  }
0xb4: {  	s29 =	simm.s32 $0x9;
	_ =	strace $0x8000004D  }
0xb5: {  	_ =	swait.ge [sflag:s29], $0x1  }
0xb6: {  	[sflag:s29] =	ssyncadd.s32 $0xFFFFFFFF  }
0xb7: {  	_ =	strace $0x9000004D  }
0xb8: {  	_ =	sfence  }
0xb9: {  	s30 =	sld [smem:$0x0];
	_ =	sdelay $0x2  }
0xba: {  	s31 =	sshll.u32 s1, $0xD;
	s1 =	sshrl.u32 s1, $0x2  }
0xbb: {  	s3 =	sand.u32 $0x4000, s31;
	s1 =	sadd.s32 s1, s30  }
0xbc: {  	s0 =	sor.u32 s3, s0;
	s1 =	sshll.u32 s1, $0x11  }
0xbd: {  	s0 =	sor.u32 s1, s0  }
0xbe: {  	s0 =	sadd.s32 $0x8F2B, s0  }
0xbf: {  	[sflag:s0] =	ssyncadd.remote.s32 $0x1  }
0xc0: {  	_ =	sfence.sel $0xFFFF  }
0xc1: {  	[dreg:$0x0] =	wrdreg $0xFFFFFFFF;
	(pc) =	sbr.abs _section_cstart, $3  }
0xc2: {  	[dreg:$0x1] =	wrdreg $0xFFFFFFFF  }
0xc3: {  	_ =	task.clear_ibuf [dreg:s7], $0x2FFFF;
	_ =	strace $0x9FFFFFFF  }
0xc4: {  	(tm) =	ssettm $0x7FFFFFFF  }
0xc5: {  	_ =	shalt  }
tec
execute0_lowered:
.L_overlay_start_1:
0x0: {  	(tag) =	ssettag $0x1  }
0x1: {  	s0 =	rddreg [dreg:$0x0]  }
0x2: {  	s8 =	rddreg [dreg:$0x1]  }
0x3: {  	s1 =	rddreg [dreg:$0x2]  }
0x4: {  	s2 =	rddreg [dreg:$0x3]  }
0x5: {  	s3 =	simm.s32 $0x0;
	s7 =	srdreg.scid;
	s4 =	stileid.u32  }
0x6: {  	s18 =	simm.s32 $0x80;
	s19 =	simm.s32 $0x100;
	s20 =	simm.s32 $0x9D00  }
0x7: {  	s21 =	simm.s32 $0xC480;
	s28 =	simm.s32 $0x400;
	s29 =	simm.s32 $0x0  }
0x8: {  	[smem:$0x7FF] =	sst s3;
	s5 =	sadd.s32 $0x400, s0;
	s6 =	sadd.s32 $0xA00, s0  }
0x9: {  	s11 =	sand.u32 $0x1, s7;
	s22 =	sshll.u32 s4, $0x1;
	s0 =	sadd.s32 $0x1A00, s0  }
0xa: {  	s13 =	sshrl.u32 s4, $0x2;
	s15 =	sshll.u32 s4, $0x5;
	p0 =	seq.s32 s4, $0x1  }
0xb: {  	_ =	strace $0x80000047;
	s9 =	ssub.s32 $0x2, s11;
	s7 =	sor.u32 s11, s22  }
0xc: {  	s23 =	smul.u32 $0x13C00, s13;
	s16 =	sshll.u32 s11, $0x4;
	p1 =	sne.s32 @!p0 s4, $0x0  }
0xd: {  	s22 =	simm.s32 $0x2;
	s10 =	sshrl.u32 s9, $0x1;
	s12 =	smul.u32 $0x9C4, s7  }
0xe: {  	s24 =	sshll.u32 s7, $0x7;
	s7 =	sshll.u32 s7, $0x4;
	s30 =	sor.u32 s16, s15  }
0xf: {  	s16 =	sshrl.u32 @p0 s2, $0x3;
	p1 =	por p1, p0;
	s14 =	ssub.s32 s9, s10  }
0x10: {  	s10 =	sand.u32 $0x380, s24;
	s7 =	sand.u32 $0x70, s7;
	s31 =	sand.u32 $0x70, s30  }
0x11: {  	s17 =	sshrl.u32 @!p1 s1, $0x3;
	s24 =	simm.s32 $0x1;
	s12 =	sand.u32 $0x1FFE0, s12  }
0x12: {  	s25 =	sor.u32 s23, s10;
	s10 =	sor.u32 $0x2700, s7;
	s13 =	smax.u32 s14, $0x1  }
0x13: {  	s14 =	sadd.s32 $0x9D20, s31;
	s23 =	simm.s32 $0x2780;
	s8 =	sadd.s32 s8, s12  }
0x14: {  	s26 =	sshrl.u32 s25, $0x3;
	s12 =	sadd.s32 $0x4F000, s25;
	s25 =	simm.s32 $0xEC00  }
0x15: {  	s9 =	sadd.s32 $0x10, s8;
	s11 =	sadd.s32 s0, s26;
	s12 =	sshrl.u32 s12, $0x3  }
0x16: {  	v0 =	vimm.f32 $0.0e+00;
	v1 =	vimm.f32 $1.000000000e+00;
	s26 =	simm.s32 $0x11380;
	s12 =	sadd.s32 s0, s12;
	s0 =	sadd.s32 $0xC4A0, s31  }
.LBB2_1:
0x17: {  	_ =	strace $0x80000048;
	s15 =	simm.s32 @p0 $0x1C42  }
0x18: {  	[spmem:s16], [sflag:s15] =	dma.local @p0 [hbm:s6], $0xEB0  }
0x19: {  	s15 =	simm.s32 @p0 $0x2  }
0x1a: {  	_ =	swait.ge @p0 [sflag:s15], $0xEB0  }
0x1b: {  	[sflag:s15] =	ssyncset.done @p0 $0x0  }
0x1c: {  	[sflag:s15] =	ssyncadd.s32 @p0 $0xFFFFF150;
	s15 =	simm.s32 @!p1 $0x1C02  }
0x1d: {  	[spmem:s17], [sflag:s15] =	dma.local @!p1 [hbm:s5], $0x4F0  }
0x1e: {  	s15 =	simm.s32 @!p1 $0x2  }
0x1f: {  	_ =	swait.ge @!p1 [sflag:s15], $0x4F0  }
0x20: {  	[sflag:s15] =	ssyncset.done @!p1 $0x0  }
0x21: {  	[sflag:s15] =	ssyncadd.s32 @!p1 $0xFFFFFB10  }
0x22: {  	_ =	strace $0x90000048  }
0x23: {  	[tilespmem:s20], [sflag:$0x1] =	stream.strided.gather [hbm4b:s8+s18], $0x2780, s19, s18, $0x38;
	[tilespmem:$0x144D0] =	vst v63  }
0x24: {  	s15 =	simm.s32 $0xEC40  }
0x25: {  	[tilespmem:s21], [sflag:$0x1] =	stream.strided.gather [hbm4b:s9+s18], $0x2780, s19, s18, $0x38;
	[tilespmem:$0x144D0] =	vst v63  }
0x26: {  	_ =	strace $0x80000049;
	[tilespmem:s15+$0x30] =	vst v0  }
0x27: {  	[tilespmem:s15+$0xFFFFFFF0] =	vst v0  }
0x28: {  	[tilespmem:s15+$0xFFFFFFC0] =	vst v0  }
0x29: {  	[tilespmem:s15+$0xFFFFFFE0] =	vst v0  }
0x2a: {  	[tilespmem:s15+$0x10] =	vst v0  }
0x2b: {  	[tilespmem:s15+$0x20] =	vst v0  }
0x2c: {  	[tilespmem:s15+$0x0] =	vst v0  }
0x2d: {  	s30 =	simm.s32 $0x113C0;
	[tilespmem:s15+$0xFFFFFFD0] =	vst v0  }
0x2e: {  	[tilespmem:s30+$0xFFFFFFC0] =	vst v0  }
0x2f: {  	[tilespmem:s30+$0x30] =	vst v0  }
0x30: {  	[tilespmem:s30+$0x20] =	vst v0  }
0x31: {  	[tilespmem:s30+$0x10] =	vst v0  }
0x32: {  	[tilespmem:s30+$0xFFFFFFE0] =	vst v0  }
0x33: {  	[tilespmem:s30+$0x0] =	vst v0  }
0x34: {  	s31 =	simm.s32 $0x0;
	[tilespmem:s30+$0xFFFFFFF0] =	vst v0  }
.LBB2_2:
0x35: {  	s31 =	sadd.s32 $0x8, s31;
	[tilespmem:s30+$0xFFFFFFD0] =	vst v0;
	s15 =	sadd.s32 $0x80, s15;
	s30 =	sadd.s32 $0x80, s30  }
0x36: {  	[tilespmem:s15+$0x30] =	vst v0;
	p2 =	slt.u32 s31, $0x268  }
0x37: {  	[tilespmem:s15+$0xFFFFFFF0] =	vst v0  }
0x38: {  	[tilespmem:s15+$0xFFFFFFC0] =	vst v0  }
0x39: {  	[tilespmem:s30+$0xFFFFFFC0] =	vst v0  }
0x3a: {  	[tilespmem:s30+$0x30] =	vst v0  }
0x3b: {  	[tilespmem:s15+$0xFFFFFFE0] =	vst v0  }
0x3c: {  	[tilespmem:s15+$0x10] =	vst v0  }
0x3d: {  	[tilespmem:s15+$0x20] =	vst v0  }
0x3e: {  	[tilespmem:s30+$0x20] =	vst v0  }
0x3f: {  	[tilespmem:s30+$0x10] =	vst v0  }
.Ltmp0:
0x40: {  	[tilespmem:s30+$0xFFFFFFE0] =	vst v0;
	(pc) =	sbr.rel @p2 .LBB2_2-.Ltmp0, $4  }
0x41: {  	[tilespmem:s15+$0x0] =	vst v0  }
0x42: {  	[tilespmem:s30+$0x0] =	vst v0  }
0x43: {  	[tilespmem:s30+$0xFFFFFFF0] =	vst v0  }
0x44: {  	[tilespmem:s15+$0xFFFFFFD0] =	vst v0  }
0x45: {  	[tilespmem:s30+$0xFFFFFFD0] =	vst v0  }
0x46: {  	[tilespmem:$0x11300] =	vst v0  }
0x47: {  	[tilespmem:$0x13A80] =	vst v0  }
0x48: {  	_ =	strace $0x90000049  }
0x49: {  	[bflag:$0x0] =	sbarrier.arrive $0xFFFF  }
0x4a: {  	_ =	strace $0x8000004A  }
0x4b: {  	[tilespmem:s3], [sflag:$0x2] =	stream.linear.gather [spmem:s1], $0x2780, $0x200038;
	[tilespmem:$0x144D0] =	vst v63  }
0x4c: {  	_ =	swait.ge [sflag:s22], $0x2780  }
0x4d: {  	[sflag:s22] =	ssyncset.done $0x0  }
0x4e: {  	[sflag:s22] =	ssyncadd.s32 $0xFFFFD880  }
0x4f: {  	[tilespmem:s23], [sflag:$0x2] =	stream.linear.gather [spmem:s2], $0x7580, $0x200038;
	[tilespmem:$0x144D0] =	vst v63  }
0x50: {  	_ =	swait.ge [sflag:s22], $0x7580  }
0x51: {  	[sflag:s22] =	ssyncset.done $0x0  }
0x52: {  	[sflag:s22] =	ssyncadd.s32 $0xFFFF8A80  }
0x53: {  	_ =	swait.ge [sflag:s24], $0x2780  }
0x54: {  	[sflag:s24] =	ssyncset.done $0x0  }
0x55: {  	[sflag:s24] =	ssyncadd.s32 $0xFFFFD880  }
0x56: {  	_ =	swait.ge [sflag:s24], $0x2780  }
0x57: {  	[sflag:s24] =	ssyncset.done $0x0  }
0x58: {  	[sflag:s24] =	ssyncadd.s32 $0xFFFFD880  }
0x59: {  	_ =	strace $0x9000004A  }
0x5a: {  	_ =	strace $0x8000004B  }
0x5b: {  	v5 =	vld [tilespmem:s14+$0x10]  }
0x5c: {  	v6 =	vld [tilespmem:s0+$0x10]  }
0x5d: {  	v11 =	vld [tilespmem:s14+$0xFFFFFFE0]  }
0x5e: {  	v7 =	vld [tilespmem:s14+$0xFFFFFFF0]  }
0x5f: {  	v8 =	vld [tilespmem:s14+$0x0]  }
0x60: {  	v3 =	vld [tilespmem:s0+$0xFFFFFFE0]  }
0x61: {  	v2 =	vld [tilespmem:s0+$0xFFFFFFF0]  }
0x62: {  	v4 =	vld [tilespmem:s0+$0x0]  }
0x63: {  	v9 =	vadd.s32 $0x2710, v5;
	v13 =	vld.idx.msk [tilespmem:v5+s23+$0x0], $0xffff  }
0x64: {  	v10 =	vadd.s32 $0x2710, v6;
	v16 =	vld.idx.msk [tilespmem:v6+s23+$0x0], $0xffff  }
0x65: {  	v12 =	vadd.s32 $0x4E20, v5;
	v22 =	vld.idx.msk [tilespmem:v11+s23+$0x0], $0xffff  }
0x66: {  	v14 =	vadd.s32 $0x4E20, v6;
	v25 =	vld.idx.msk [tilespmem:v7+s23+$0x0], $0xffff  }
0x67: {  	v15 =	vadd.s32 $0x2710, v3;
	v27 =	vld.idx.msk [tilespmem:v8+s23+$0x0], $0xffff  }
0x68: {  	v17 =	vadd.s32 $0x2710, v7;
	v9 =	vld.idx.msk [tilespmem:v9+s23+$0x0], $0xffff  }
0x69: {  	v18 =	vadd.s32 $0x2710, v2;
	v10 =	vld.idx.msk [tilespmem:v10+s23+$0x0], $0xffff  }
0x6a: {  	v19 =	vadd.s32 $0x2710, v11;
	v12 =	vld.idx.msk [tilespmem:v12+s23+$0x0], $0xffff  }
0x6b: {  	v20 =	vadd.s32 $0x2710, v8;
	v14 =	vld.idx.msk [tilespmem:v14+s23+$0x0], $0xffff  }
0x6c: {  	v21 =	vadd.s32 $0x2710, v4;
	v15 =	vld.idx.msk [tilespmem:v15+s23+$0x0], $0xffff  }
0x6d: {  	v17 =	vld.idx.msk [tilespmem:v17+s23+$0x0], $0xffff  }
0x6e: {  	v23 =	vadd.s32 $0x4E20, v11;
	v18 =	vld.idx.msk [tilespmem:v18+s23+$0x0], $0xffff;
	v13 =	vsub.f32 v13, v16;
	v9 =	vsub.f32 v9, v10  }
0x6f: {  	v56 =	vadd.s32 $0x4E20, v3;
	v19 =	vld.idx.msk [tilespmem:v19+s23+$0x0], $0xffff  }
0x70: {  	v20 =	vld.idx.msk [tilespmem:v20+s23+$0x0], $0xffff;
	v12 =	vsub.f32 v12, v14;
	v13 =	vmul.f32 v13, v13;
	v9 =	vmul.f32 v9, v9  }
0x71: {  	v24 =	vadd.s32 $0x4E20, v7;
	v21 =	vld.idx.msk [tilespmem:v21+s23+$0x0], $0xffff  }
0x72: {  	v10 =	vld.idx.msk [tilespmem:v3+s23+$0x0], $0xffff;
	v12 =	vmul.f32 v12, v12;
	v9 =	vadd.f32 v9, v13  }
0x73: {  	v26 =	vadd.s32 $0x4E20, v2;
	v23 =	vld.idx.msk [tilespmem:v23+s23+$0x0], $0xffff  }
0x74: {  	v28 =	vadd.s32 $0x4E20, v8;
	v9 =	vadd.f32 v12, v9;
	v12 =	vld.idx.msk [tilespmem:v56+s23+$0x0], $0xffff  }
0x75: {  	v29 =	vadd.s32 $0x4E20, v4;
	v14 =	vld.idx.msk [tilespmem:v2+s23+$0x0], $0xffff  }
0x76: {  	v57 =	vld.idx.msk [tilespmem:v24+s23+$0x0], $0xffff;
	v9 =	vadd.f32 $9.999999930e-09, v9  }
0x77: {  	v15 =	vsub.f32 v19, v15;
	v13 =	vld.idx.msk [tilespmem:v4+s23+$0x0], $0xffff;
	v10 =	vsub.f32 v22, v10  }
0x78: {  	v58 =	vld.idx.msk [tilespmem:v26+s23+$0x0], $0xffff;
	(erf) = vrcp.f32 v9  }
0x79: {  	v59 =	vld.idx.msk [tilespmem:v28+s23+$0x0], $0xffff;
	v15 =	vmul.f32 v15, v15;
	v10 =	vmul.f32 v10, v10;
	v12 =	vsub.f32 v23, v12  }
0x7a: {  	v17 =	vsub.f32 v17, v18;
	v14 =	vsub.f32 v25, v14;
	v9 =	vld.idx.msk [tilespmem:v29+s23+$0x0], $0xffff  }
0x7b: {  	v5 =	vld.idx.msk [tilespmem:v5+s3+$0x0], $0xffff;
	v60 =	vsub.f32 v20, v21;
	v10 =	vadd.f32 v15, v10;
	v12 =	vmul.f32 v12, v12  }
0x7c: {  	v61 =	vld.idx.msk [tilespmem:v6+s3+$0x0], $0xffff;
	v17 =	vmul.f32 v17, v17;
	v14 =	vmul.f32 v14, v14;
	v13 =	vsub.f32 v27, v13  }
0x7d: {  	v11 =	vld.idx.msk [tilespmem:v11+s3+$0x0], $0xffff;
	v16 =	vsub.f32 v57, v58;
	v10 =	vadd.f32 v12, v10  }
0x7e: {  	v7 =	vld.idx.msk [tilespmem:v7+s3+$0x0], $0xffff;
	v19 =	vmul.f32 v60, v60;
	v14 =	vadd.f32 v17, v14;
	v13 =	vmul.f32 v13, v13  }
0x7f: {  	v62 =	vld.idx.msk [tilespmem:v2+s3+$0x0], $0xffff;
	v16 =	vmul.f32 v16, v16;
	v9 =	vsub.f32 v59, v9;
	v10 =	vadd.f32 $9.999999930e-09, v10  }
0x80: {  	v8 =	vld.idx.msk [tilespmem:v8+s3+$0x0], $0xffff;
	v13 =	vadd.f32 v19, v13  }
0x81: {  	s30 =	sadd.s32 $0x40, s7;
	v15 =	vld.idx.msk [tilespmem:v3+s3+$0x0], $0xffff;
	v12 =	vadd.f32 v16, v14;
	v9 =	vmul.f32 v9, v9;
	v63 =	vpop (erf);
	(erf) = vrcp.f32 v10  }
0x82: {  	p2 =	slt.u32 s30, s10;
	v5 =	vsub.f32 v5, v61;
	v14 =	vld.idx.msk [tilespmem:v4+s3+$0x0], $0xffff  }
.Ltmp1:
0x83: {  	v9 =	vadd.f32 v9, v13;
	v13 =	vadd.f32 $9.999999930e-09, v12;
	(pc) =	sbr.rel @!p2 .LBB2_5-.Ltmp1, $4  }
0x84: {  	v5 =	vmul.f32 v63, v5  }
0x85: {  	v9 =	vadd.f32 $9.999999930e-09, v9;
	(erf) = vrcp.f32 v13  }
0x86: {  	v12 =	vsub.f32 v11, v15;
	[tilespmem:v6+s25+$0x0] =	vst.idx.add.f32.msk $0xffff, v5  }
0x87: {  	s31 =	sadd.s32 $0x40, s14;
	s15 =	smov.u32 s0;
	v10 =	vsub.f32 v7, v62;
	v11 =	vsub.f32 v8, v14;
	[tilespmem:v6+s26+$0x0] =	vst.idx.add.f32.msk $0xffff, v1;
	(erf) = vrcp.f32 v9  }
.LBB2_4:
0x88: {  	v13 =	vld [tilespmem:s31+$0x10];
	s15 =	sadd.s32 $0x40, s15  }
0x89: {  	v9 =	vld [tilespmem:s15+$0x10]  }
0x8a: {  	s30 =	sadd.s32 $0x40, s30;
	v6 =	vld [tilespmem:s15+$0xFFFFFFE0];
	v5 =	vpop (erf)  }
0x8b: {  	p2 =	slt.u32 s30, s10;
	v14 =	vld [tilespmem:s31+$0xFFFFFFF0];
	v8 =	vmul.f32 v5, v12  }
0x8c: {  	v7 =	vld [tilespmem:s15+$0xFFFFFFF0]  }
0x8d: {  	v12 =	vld [tilespmem:s31+$0x0];
	v15 =	vadd.s32 $0x2710, v13  }
0x8e: {  	v5 =	vld [tilespmem:s15+$0x0];
	v16 =	vadd.s32 $0x2710, v9;
	v17 =	vpop (erf)  }
0x8f: {  	v21 =	vadd.s32 $0x4E20, v13;
	v18 =	vld [tilespmem:s31+$0xFFFFFFE0];
	v19 =	vadd.s32 $0x2710, v6;
	v20 =	vadd.s32 $0x4E20, v6  }
0x90: {  	v25 =	vadd.s32 $0x4E20, v9;
	v22 =	vadd.s32 $0x2710, v14;
	v23 =	vadd.s32 $0x4E20, v14;
	v24 =	vld.idx.msk [tilespmem:v13+s23+$0x0], $0xffff;
	v26 =	vpop (erf)  }
0x91: {  	v17 =	vmul.f32 v17, v10;
	v27 =	vadd.s32 $0x2710, v7;
	v28 =	vadd.s32 $0x4E20, v7;
	v29 =	vld.idx.msk [tilespmem:v9+s23+$0x0], $0xffff  }
0x92: {  	v11 =	vmul.f32 v26, v11;
	v10 =	vadd.s32 $0x2710, v12;
	v30 =	vadd.s32 $0x4E20, v12;
	v15 =	vld.idx.msk [tilespmem:v15+s23+$0x0], $0xffff  }
0x93: {  	v26 =	vadd.s32 $0x2710, v5;
	v31 =	vadd.s32 $0x4E20, v5;
	v16 =	vld.idx.msk [tilespmem:v16+s23+$0x0], $0xffff  }
0x94: {  	v32 =	vadd.s32 $0x2710, v18;
	v33 =	vadd.s32 $0x4E20, v18;
	v21 =	vld.idx.msk [tilespmem:v21+s23+$0x0], $0xffff  }
0x95: {  	v25 =	vld.idx.msk [tilespmem:v25+s23+$0x0], $0xffff  }
0x96: {  	v19 =	vld.idx.msk [tilespmem:v19+s23+$0x0], $0xffff  }
0x97: {  	v22 =	vld.idx.msk [tilespmem:v22+s23+$0x0], $0xffff  }
0x98: {  	v27 =	vld.idx.msk [tilespmem:v27+s23+$0x0], $0xffff  }
0x99: {  	v24 =	vsub.f32 v24, v29;
	v15 =	vsub.f32 v15, v16;
	v32 =	vld.idx.msk [tilespmem:v32+s23+$0x0], $0xffff  }
0x9a: {  	v10 =	vld.idx.msk [tilespmem:v10+s23+$0x0], $0xffff  }
0x9b: {  	v24 =	vmul.f32 v24, v24;
	v21 =	vsub.f32 v21, v25;
	v15 =	vmul.f32 v15, v15;
	v16 =	vld.idx.msk [tilespmem:v26+s23+$0x0], $0xffff  }
0x9c: {  	v25 =	vld.idx.msk [tilespmem:v18+s23+$0x0], $0xffff  }
0x9d: {  	v15 =	vadd.f32 v15, v24;
	v21 =	vmul.f32 v21, v21;
	v26 =	vld.idx.msk [tilespmem:v6+s23+$0x0], $0xffff  }
0x9e: {  	v22 =	vsub.f32 v22, v27;
	v24 =	vld.idx.msk [tilespmem:v14+s23+$0x0], $0xffff  }
0x9f: {  	v19 =	vsub.f32 v32, v19;
	v15 =	vadd.f32 v21, v15;
	v27 =	vld.idx.msk [tilespmem:v7+s23+$0x0], $0xffff  }
0xa0: {  	v21 =	vmul.f32 v22, v22;
	v22 =	vld.idx.msk [tilespmem:v12+s23+$0x0], $0xffff  }
0xa1: {  	v19 =	vmul.f32 v19, v19;
	v10 =	vsub.f32 v10, v16;
	v15 =	vadd.f32 $9.999999930e-09, v15;
	v29 =	vld.idx.msk [tilespmem:v5+s23+$0x0], $0xffff  }
0xa2: {  	v16 =	vld.idx.msk [tilespmem:v33+s23+$0x0], $0xffff  }
0xa3: {  	v25 =	vsub.f32 v25, v26;
	v10 =	vmul.f32 v10, v10;
	v20 =	vld.idx.msk [tilespmem:v20+s23+$0x0], $0xffff;
	(erf) = vrcp.f32 v15  }
0xa4: {  	v13 =	vld.idx.msk [tilespmem:v13+s3+$0x0], $0xffff  }
0xa5: {  	v15 =	vmul.f32 v25, v25;
	v24 =	vsub.f32 v24, v27;
	v25 =	vld.idx.msk [tilespmem:v9+s3+$0x0], $0xffff  }
0xa6: {  	v23 =	vld.idx.msk [tilespmem:v23+s23+$0x0], $0xffff  }
0xa7: {  	v15 =	vadd.f32 v19, v15;
	v24 =	vmul.f32 v24, v24;
	v22 =	vsub.f32 v22, v29;
	v19 =	vld.idx.msk [tilespmem:v28+s23+$0x0], $0xffff  }
0xa8: {  	v26 =	vld.idx.msk [tilespmem:v30+s23+$0x0], $0xffff  }
0xa9: {  	v16 =	vsub.f32 v16, v20;
	v20 =	vadd.f32 v21, v24;
	v27 =	vmul.f32 v22, v22;
	v21 =	vld.idx.msk [tilespmem:v31+s23+$0x0], $0xffff  }
0xaa: {  	v18 =	vld.idx.msk [tilespmem:v18+s3+$0x0], $0xffff  }
0xab: {  	v16 =	vmul.f32 v16, v16;
	v10 =	vadd.f32 v10, v27;
	v13 =	vsub.f32 v13, v25;
	v24 =	vld.idx.msk [tilespmem:v6+s3+$0x0], $0xffff  }
0xac: {  	v14 =	vld.idx.msk [tilespmem:v14+s3+$0x0], $0xffff;
	v22 =	vpop (erf)  }
0xad: {  	v15 =	vadd.f32 v16, v15;
	v19 =	vsub.f32 v23, v19;
	v16 =	vld.idx.msk [tilespmem:v7+s3+$0x0], $0xffff;
	v13 =	vmul.f32 v22, v13  }
0xae: {  	v22 =	vld.idx.msk [tilespmem:v12+s3+$0x0], $0xffff  }
0xaf: {  	v12 =	vadd.f32 $9.999999930e-09, v15;
	v15 =	vmul.f32 v19, v19;
	v19 =	vsub.f32 v26, v21;
	[tilespmem:v9+s25+$0x0] =	vst.idx.add.f32.msk $0xffff, v13  }
0xb0: {  	[tilespmem:v9+s26+$0x0] =	vst.idx.add.f32.msk $0xffff, v1  }
0xb1: {  	v9 =	vadd.f32 v15, v20;
	v15 =	vmul.f32 v19, v19;
	v13 =	vld.idx.msk [tilespmem:v5+s3+$0x0], $0xffff;
	(erf) = vrcp.f32 v12  }
0xb2: {  	v12 =	vsub.f32 v18, v24;
	[tilespmem:v3+s25+$0x0] =	vst.idx.add.f32.msk $0xffff, v8  }
.Ltmp2:
0xb3: {  	v8 =	vadd.f32 $9.999999930e-09, v9;
	v9 =	vadd.f32 v15, v10;
	[tilespmem:v3+s26+$0x0] =	vst.idx.add.f32.msk $0xffff, v1;
	v3 =	vmov v6;
	(pc) =	sbr.rel @p2 .LBB2_4-.Ltmp2, $4  }
0xb4: {  	v10 =	vsub.f32 v14, v16;
	[tilespmem:v2+s25+$0x0] =	vst.idx.add.f32.msk $0xffff, v17  }
0xb5: {  	v6 =	vadd.f32 $9.999999930e-09, v9;
	(erf) = vrcp.f32 v8;
	[tilespmem:v2+s26+$0x0] =	vst.idx.add.f32.msk $0xffff, v1;
	v2 =	vmov v7  }
0xb6: {  	[tilespmem:v4+s25+$0x0] =	vst.idx.add.f32.msk $0xffff, v11  }
0xb7: {  	s31 =	sadd.s32 $0x40, s31;
	v11 =	vsub.f32 v22, v13;
	(erf) = vrcp.f32 v6;
	[tilespmem:v4+s26+$0x0] =	vst.idx.add.f32.msk $0xffff, v1;
	v4 =	vmov v5  }
.LBB2_5:
0xb8: {  	_ =	sdelay $0x3  }
0xb9: {  	v5 =	vpop (erf)  }
0xba: {  	v5 =	vmul.f32 v5, v12  }
0xbb: {  	v6 =	vpop (erf)  }
0xbc: {  	[tilespmem:v3+s25+$0x0] =	vst.idx.add.f32.msk $0xffff, v5;
	v6 =	vmul.f32 v6, v10  }
0xbd: {  	[tilespmem:v3+s26+$0x0] =	vst.idx.add.f32.msk $0xffff, v1;
	v56 =	vpop (erf)  }
0xbe: {  	v3 =	vmul.f32 v56, v11;
	[tilespmem:v2+s25+$0x0] =	vst.idx.add.f32.msk $0xffff, v6  }
0xbf: {  	[tilespmem:v2+s26+$0x0] =	vst.idx.add.f32.msk $0xffff, v1  }
0xc0: {  	[tilespmem:v4+s25+$0x0] =	vst.idx.add.f32.msk $0xffff, v3  }
0xc1: {  	[tilespmem:v4+s26+$0x0] =	vst.idx.add.f32.msk $0xffff, v1  }
0xc2: {  	v2 =	vld [tilespmem:s10+$0x9D00]  }
0xc3: {  	v3 =	vld [tilespmem:s10+$0xC480];
	_ =	sdelay $0x3  }
0xc4: {  	v57 =	vadd.s32 $0x2710, v2  }
0xc5: {  	v58 =	vadd.s32 $0x2710, v3  }
0xc6: {  	v59 =	vadd.s32 $0x4E20, v2  }
0xc7: {  	v8 =	vadd.s32 $0x4E20, v3;
	v7 =	vld.idx.msk [tilespmem:v2+s23+$0x0], $0xffff  }
0xc8: {  	v9 =	vld.idx.msk [tilespmem:v3+s23+$0x0], $0xffff  }
0xc9: {  	v4 =	vld.idx.msk [tilespmem:v57+s23+$0x0], $0xffff  }
0xca: {  	v5 =	vld.idx.msk [tilespmem:v58+s23+$0x0], $0xffff  }
0xcb: {  	v6 =	vld.idx.msk [tilespmem:v59+s23+$0x0], $0xffff  }
0xcc: {  	v8 =	vld.idx.msk [tilespmem:v8+s23+$0x0], $0xffff;
	_ =	sdelay $0x2  }
0xcd: {  	v7 =	vsub.f32 v7, v9;
	v4 =	vsub.f32 v4, v5;
	_ =	sdelay $0x1  }
0xce: {  	v60 =	vsub.f32 v6, v8;
	v61 =	vmul.f32 v7, v7;
	v4 =	vmul.f32 v4, v4;
	_ =	sdelay $0x1  }
0xcf: {  	v5 =	vmul.f32 v60, v60;
	v4 =	vadd.f32 v4, v61;
	_ =	sdelay $0x1  }
0xd0: {  	v4 =	vadd.f32 v5, v4;
	_ =	sdelay $0x1  }
0xd1: {  	v4 =	vadd.f32 $9.999999930e-09, v4;
	_ =	sdelay $0x1  }
0xd2: {  	(erf) = vrcp.f32 v4;
	_ =	sdelay $0x1  }
0xd3: {  	v2 =	vld.idx.msk [tilespmem:v2+s3+$0x0], $0xffff  }
0xd4: {  	v62 =	vld.idx.msk [tilespmem:v3+s3+$0x0], $0xffff;
	_ =	sdelay $0x4  }
0xd5: {  	v2 =	vsub.f32 v2, v62  }
0xd6: {  	v63 =	vpop (erf)  }
0xd7: {  	v2 =	vmul.f32 v63, v2;
	_ =	sdelay $0x1  }
0xd8: {  	[tilespmem:v3+s25+$0x0] =	vst.idx.add.f32.msk $0xffff, v2  }
0xd9: {  	[tilespmem:v3+s26+$0x0] =	vst.idx.add.f32.msk $0xffff, v1  }
0xda: {  	_ =	strace $0x9000004B  }
0xdb: {  	_ =	strace $0x8000004C  }
0xdc: {  	[hbm4b:s11+s18] =	stream.strided.scatter [tilespmem:s25], [sflag:$0x1], $0x2780, s28, s18, $0x200038;
	[tilespmem:$0x144D0] =	vst v63  }
0xdd: {  	_ = 	snop  }
0xde: {  	[hbm4b:s12+s18] =	stream.strided.scatter [tilespmem:s26], [sflag:$0x1], $0x2780, s28, s18, $0x200038;
	[tilespmem:$0x144D0] =	vst v63  }
0xdf: {  	s29 =	sadd.s32 $0x1, s29;
	_ =	swait.ge [sflag:s24], $0x2780  }
0xe0: {  	p2 =	sne.s32 s29, s13;
	[sflag:s24] =	ssyncset.done $0x0  }
.Ltmp3:
0xe1: {  	[sflag:s24] =	ssyncadd.s32 $0xFFFFD880;
	(pc) =	sbr.rel @p2 .LBB2_1-.Ltmp3, $4  }
0xe2: {  	_ =	swait.ge [sflag:s24], $0x2780  }
0xe3: {  	[sflag:s24] =	ssyncset.done $0x0  }
0xe4: {  	[sflag:s24] =	ssyncadd.s32 $0xFFFFD880  }
0xe5: {  	_ =	strace $0x9000004C  }
0xe6: {  	_ =	sfence.sel $0x180000  }
0xe7: {  	[bflag:$0x0] =	sbarrier.arrive $0xFFFF  }
0xe8: {  	_ =	strace $0x90000047  }
0xe9: {  	[bflag:$0x2] =	sbarrier.arrive $0xFFFF  }
0xea: {  	p0 =	sne.s32 s4, $0x0;
	s0 =	rddreg [dreg:$0x4]  }
0xeb: {  	s0 =	sadd.s32 @!p0 $0x100000, s0  }
0xec: {  	[sflag:s0] =	ssyncadd.tile.s32 @!p0 $0x1;
	_ =	shalt  }
.Lfunc_end2:
_tile_overlayer_lowered:
.L_overlay_start_2:
0xed: {  	(tag) =	ssettag $0x2  }
0xee: {  	s0 =	rddreg [dreg:$0x0];
	s2 =	stileid.u32  }
0xef: {  	s1 =	rddreg [dreg:$0x1];
	p0 =	sne.s32 s2, $0x0  }
0xf0: {  	s3 =	rddreg [dreg:$0x2];
	[bflag:$0x3] =	sbarrier.arrive $0xFFFF;
	s2 =	simm.s32 @!p0 $0x1C02  }
0xf1: {  	[timem:s3], [sflag:s2] =	dma.local @!p0 [hbm:s0], s1  }
0xf2: {  	s0 =	simm.s32 @!p0 $0x2  }
0xf3: {  	_ =	swait.ge @!p0 [sflag:s0], s1  }
0xf4: {  	s1 =	ssub.s32 @!p0 $0x0, s1;
	[sflag:s0] =	ssyncset.done @!p0 $0x0  }
0xf5: {  	[sflag:s0] =	ssyncadd.s32 @!p0 s1  }
0xf6: {  	[bflag:$0x3] =	sbarrier.arrive $0xFFFF  }
0xf7: {  	_ =	shalt  }

</sc_bundles>
